<compile_context>
chip_gen: v7x
topology: tpu7x:2x2x1
jax: 0.10.2.dev20260603
libtpu: 0.0.44.dev20260713+nightly
codegen_flags: <defaults>
</compile_context>

<pallas_src>
import jax
import jax.numpy as jnp
from jax import lax
from jax.experimental import pallas as pl
from jax.experimental.pallas import tpu as pltpu
from jax.experimental.pallas import tpu_sc as plsc

VOCAB = 24
EMBED_DIM = 128
BATCH = 256
SEQ = 1024

NC = 2
NS = 16
NW = NC * NS

TOTAL = BATCH * SEQ
PER_W = TOTAL // NW
GROUP = 128
NGROUPS = PER_W // GROUP
LANES = 16

REPS = 8
GDEPTH = 5
PERIOD = 4
NGATHER = 16
NCOMP = NGROUPS - NGATHER
CBUF = 2
GROUP_ELEMS = GROUP * EMBED_DIM


def _emb_kernel(tab_rep_hbm, tab_hbm, idx_hbm, out_hbm,
                table_v, idx_v, rows_v, cbuf, gsem, g_osem, c_osem):
    wid = lax.axis_index("s") * NC + lax.axis_index("c")
    pltpu.sync_copy(tab_hbm, table_v)
    pltpu.sync_copy(idx_hbm.at[wid], idx_v)
    base = wid * PER_W

    def fire_gather(k, b):
        rep = wid * REPS + lax.rem(k, REPS)
        pltpu.async_copy(tab_rep_hbm.at[rep].at[idx_v.at[k]], rows_v.at[b], gsem)

    def wait_gather(b):
        pltpu.make_async_copy(
            tab_rep_hbm.at[0].at[idx_v.at[0]], rows_v.at[b], gsem
        ).wait()

    def fire_gout(k, b):
        pltpu.async_copy(
            rows_v.at[b],
            out_hbm.at[pl.ds(base + k * GROUP, GROUP)],
            g_osem,
        )

    def wait_gout():
        pltpu.make_async_copy(
            rows_v.at[0], out_hbm.at[pl.ds(base, GROUP)], g_osem
        ).wait()

    def wait_cout():
        pltpu.make_async_copy(
            cbuf.at[pl.ds(0, GROUP)],
            out_hbm.at[pl.ds(base, GROUP)],
            c_osem,
        ).wait()

    def do_compute(c):
        g = NGATHER + c
        cb = lax.rem(c, CBUF)

        def block(i, _):
            j0 = i * LANES
            idxv = idx_v[g, pl.ds(j0, LANES)]
            rowv = cb * GROUP + j0 + lax.iota(jnp.int32, LANES)

            @plsc.parallel_loop(0, EMBED_DIM, step=1, unroll=8)
            def _(u):
                iota = lax.iota(jnp.int32, LANES)
                colv = ((iota + u) & (LANES - 1)) + (u & ~(LANES - 1))
                vals = plsc.load_gather(table_v, [idxv, colv])
                plsc.store_scatter(cbuf, [rowv, colv], vals)

            return 0

        lax.fori_loop(0, GROUP // LANES, block, 0)
        pltpu.async_copy(
            cbuf.at[pl.ds(cb * GROUP, GROUP)],
            out_hbm.at[pl.ds(base + g * GROUP, GROUP)],
            c_osem,
        )

    fire_gather(0, 0)
    fire_gather(1, 1)
    fire_gather(2, 2)

    def body(m, _):
        period, slot = lax.div(m, PERIOD), lax.rem(m, PERIOD)
        is_gather = slot == 1

        @pl.when(is_gather)
        def _():
            k = period
            b = lax.rem(k, GDEPTH)
            wait_gather(b)
            fire_gout(k, b)

            @pl.when(k >= 2)
            def _():
                wait_gout()

            @pl.when(k + 3 < NGATHER)
            def _():
                fire_gather(k + 3, lax.rem(k + 3, GDEPTH))

        @pl.when(jnp.logical_not(is_gather))
        def _():
            c = period * 3 + slot - jnp.where(slot > 1, 1, 0)

            @pl.when(c >= CBUF)
            def _():
                wait_cout()

            do_compute(c)

        return 0

    lax.fori_loop(0, NGROUPS, body, 0)

    for _ in range(2):
        wait_gout()
    for _ in range(CBUF):
        wait_cout()


def kernel(x, table):
    idx = x.reshape(NW, NGROUPS, GROUP)
    table_rep = jnp.tile(table[None], (NW * REPS, 1, 1))
    mesh = plsc.VectorSubcoreMesh(core_axis_name="c", subcore_axis_name="s")
    out = pl.kernel(
        _emb_kernel,
        mesh=mesh,
        compiler_params=pltpu.CompilerParams(needs_layout_passes=False),
        out_type=jax.ShapeDtypeStruct((TOTAL, EMBED_DIM), jnp.float32),
        scratch_types=[
            pltpu.VMEM((VOCAB, EMBED_DIM), jnp.float32),
            pltpu.VMEM((NGROUPS, GROUP), jnp.int32),
            pltpu.VMEM((GDEPTH, GROUP, EMBED_DIM), jnp.float32),
            pltpu.VMEM((CBUF * GROUP, EMBED_DIM), jnp.float32),
            pltpu.SemaphoreType.DMA,
            pltpu.SemaphoreType.DMA,
            pltpu.SemaphoreType.DMA,
        ],
    )(table_rep, table, idx)
    return out.reshape(BATCH, SEQ, EMBED_DIM)

# --- scband reference (transcript-rebuilt; emitter-appended) ---
"""Pipeline reference for scband-transformer-embedding-64493228917057 (READ-ONLY COPY).

The authoritative reference and input builder live on the scoring server;
editing this copy changes nothing except your own understanding.
"""

import jax, jax.numpy as jnp
import numpy as np

VOCAB = 24  # len(amino_acid_to_id)=20 + 4 special tokens
EMBED_DIM = 128
PAD_IDX = 0
BATCH = 256
SEQ = 1024


def setup_inputs(seed: int = 0) -> dict:
    key = jax.random.key(seed)
    kx, kw = jax.random.split(key)
    x = jax.random.randint(kx, (BATCH, SEQ), 0, VOCAB, dtype=jnp.int32)
    table = jax.random.normal(kw, (VOCAB, EMBED_DIM), dtype=jnp.float32)
    # nn.Embedding with padding_idx zeros that row at init
    table = table.at[PAD_IDX].set(0.0)
    return {"x": x, "table": table}


def reference(x, table):
    # embedding lookup; dropout in eval mode is identity
    out = jnp.take(table, x, axis=0)
    return out

if __name__ == "__main__":
    import jax
    _d = setup_inputs()
    print(jax.jit(kernel)(*tuple(_d.values())))

</pallas_src>

<mosaic_0001>
#map = affine_map<(d0, d1) -> (0, 0, 0)>
#map1 = affine_map<(d0, d1) -> (0, 0)>
module attributes {stable_mosaic.version = 14 : i64} {
  func.func @_emb_kernel(%arg0: i32, %arg1: i32, %arg2: memref<256x24x128xf32, #tpu.memory_space<hbm>>, %arg3: memref<24x128xf32, #tpu.memory_space<hbm>>, %arg4: memref<32x64x128xi32, #tpu.memory_space<hbm>>, %arg5: memref<262144x128xf32, #tpu.memory_space<hbm>>, %arg6: memref<24x128xf32, #tpu.memory_space<vmem>>, %arg7: memref<64x128xi32, #tpu.memory_space<vmem>>, %arg8: memref<5x128x128xf32, #tpu.memory_space<vmem>>, %arg9: memref<256x128xf32, #tpu.memory_space<vmem>>, %arg10: memref<!tpu.dma_semaphore, #tpu.memory_space<semaphore_mem>>, %arg11: memref<!tpu.dma_semaphore, #tpu.memory_space<semaphore_mem>>, %arg12: memref<!tpu.dma_semaphore, #tpu.memory_space<semaphore_mem>>) attributes {dimension_semantics = [#tpu.dimension_semantics<core_parallel>, #tpu.dimension_semantics<subcore_parallel>], iteration_bounds = array<i64: 2, 16>, scalar_prefetch = 0 : i64, scratch_operands = 7 : i64, tpu.core_type = #tpu.core_type<sc_vector_subcore>, window_params = [{transform_indices = #map}, {transform_indices = #map1}, {transform_indices = #map}, {transform_indices = #map1}]} {
    %mul3A = arith.constant 2 : i32
    %mul3A_0 = arith.muli %arg1, %mul3A : i32
    %add3A = arith.addi %mul3A_0, %arg0 : i32
    "tpu.region"() ({
      %run_scoped3A = tpu.sem_alloc : memref<!tpu.dma_semaphore, #tpu.memory_space<semaphore_mem>>
      tpu.enqueue_dma source(%arg3 : memref<24x128xf32, #tpu.memory_space<hbm>>) target(%arg6 : memref<24x128xf32, #tpu.memory_space<vmem>>) target_semaphore(%run_scoped3A : memref<!tpu.dma_semaphore, #tpu.memory_space<semaphore_mem>>)
      tpu.wait_dma2 semaphore(%run_scoped3A : memref<!tpu.dma_semaphore, #tpu.memory_space<semaphore_mem>>) src(%arg3 : memref<24x128xf32, #tpu.memory_space<hbm>>) dst(%arg6 : memref<24x128xf32, #tpu.memory_space<vmem>>)
      tpu.yield
    }) : () -> ()
    "tpu.region"() ({
      %run_scoped3A = tpu.sem_alloc : memref<!tpu.dma_semaphore, #tpu.memory_space<semaphore_mem>>
      %dma_start3A_118 = arith.constant 0 : i32
      %dma_start3A_119 = arith.constant 0 : i32
      %dma_start3A_120 = tpu.memref_slice %arg4[%add3A, %dma_start3A_118, %dma_start3A_119] : memref<32x64x128xi32, #tpu.memory_space<hbm>> -> memref<1x64x128xi32, #tpu.memory_space<hbm>>
      %dma_start3A_121 = tpu.memref_squeeze %dma_start3A_120 : memref<1x64x128xi32, #tpu.memory_space<hbm>> -> memref<64x128xi32, #tpu.memory_space<hbm>>
      %dma_start3A_122 = arith.constant 0 : i32
      %dma_start3A_123 = arith.constant 0 : i32
      %dma_start3A_124 = tpu.memref_slice %arg4[%add3A, %dma_start3A_122, %dma_start3A_123] : memref<32x64x128xi32, #tpu.memory_space<hbm>> -> memref<1x64x128xi32, #tpu.memory_space<hbm>>
      %dma_start3A_125 = tpu.memref_squeeze %dma_start3A_124 : memref<1x64x128xi32, #tpu.memory_space<hbm>> -> memref<64x128xi32, #tpu.memory_space<hbm>>
      tpu.enqueue_dma source(%dma_start3A_125 : memref<64x128xi32, #tpu.memory_space<hbm>>) target(%arg7 : memref<64x128xi32, #tpu.memory_space<vmem>>) target_semaphore(%run_scoped3A : memref<!tpu.dma_semaphore, #tpu.memory_space<semaphore_mem>>)
      %dma_wait3A_126 = arith.constant 0 : i32
      %dma_wait3A_127 = arith.constant 0 : i32
      %dma_wait3A_128 = tpu.memref_slice %arg4[%add3A, %dma_wait3A_126, %dma_wait3A_127] : memref<32x64x128xi32, #tpu.memory_space<hbm>> -> memref<1x64x128xi32, #tpu.memory_space<hbm>>
      %dma_wait3A_129 = tpu.memref_squeeze %dma_wait3A_128 : memref<1x64x128xi32, #tpu.memory_space<hbm>> -> memref<64x128xi32, #tpu.memory_space<hbm>>
      %dma_wait3A_130 = arith.constant 0 : i32
      %dma_wait3A_131 = arith.constant 0 : i32
      %dma_wait3A_132 = tpu.memref_slice %arg4[%add3A, %dma_wait3A_130, %dma_wait3A_131] : memref<32x64x128xi32, #tpu.memory_space<hbm>> -> memref<1x64x128xi32, #tpu.memory_space<hbm>>
      %dma_wait3A_133 = tpu.memref_squeeze %dma_wait3A_132 : memref<1x64x128xi32, #tpu.memory_space<hbm>> -> memref<64x128xi32, #tpu.memory_space<hbm>>
      tpu.wait_dma2 semaphore(%run_scoped3A : memref<!tpu.dma_semaphore, #tpu.memory_space<semaphore_mem>>) src(%dma_wait3A_133 : memref<64x128xi32, #tpu.memory_space<hbm>>) dst(%arg7 : memref<64x128xi32, #tpu.memory_space<vmem>>)
      tpu.yield
    }) : () -> ()
    %mul3A_1 = arith.constant 8192 : i32
    %mul3A_2 = arith.muli %add3A, %mul3A_1 : i32
    %mul3A_3 = arith.constant 8 : i32
    %mul3A_4 = arith.muli %add3A, %mul3A_3 : i32
    %rem3A = arith.constant 0 : i32
    %rem3A_5 = arith.constant 8 : i32
    %rem3A_6 = arith.remsi %rem3A, %rem3A_5 : i32
    %add3A_7 = arith.addi %mul3A_4, %rem3A_6 : i32
    %dma_start3A = arith.constant 0 : i32
    %dma_start3A_8 = arith.constant 0 : i32
    %dma_start3A_9 = arith.constant 0 : i32
    %dma_start3A_10 = arith.constant 0 : i32
    %dma_start3A_11 = tpu.memref_slice %arg8[%dma_start3A_8, %dma_start3A_9, %dma_start3A_10] : memref<5x128x128xf32, #tpu.memory_space<vmem>> -> memref<1x128x128xf32, #tpu.memory_space<vmem>>
    %dma_start3A_12 = tpu.memref_squeeze %dma_start3A_11 : memref<1x128x128xf32, #tpu.memory_space<vmem>> -> memref<128x128xf32, #tpu.memory_space<vmem>>
    %dma_start3A_13 = arith.constant 0 : i32
    %dma_start3A_14 = tpu.memref_slice %arg7[%dma_start3A, %dma_start3A_13] : memref<64x128xi32, #tpu.memory_space<vmem>> -> memref<1x128xi32, #tpu.memory_space<vmem>>
    %dma_start3A_15 = tpu.memref_squeeze %dma_start3A_14 : memref<1x128xi32, #tpu.memory_space<vmem>> -> memref<128xi32, #tpu.memory_space<vmem>>
    %dma_start3A_16 = arith.constant 0 : i32
    %dma_start3A_17 = arith.constant 0 : i32
    %dma_start3A_18 = tpu.memref_slice %arg2[%add3A_7, %dma_start3A_16, %dma_start3A_17] : memref<256x24x128xf32, #tpu.memory_space<hbm>> -> memref<1x24x128xf32, #tpu.memory_space<hbm>>
    %dma_start3A_19 = tpu.memref_squeeze %dma_start3A_18 : memref<1x24x128xf32, #tpu.memory_space<hbm>> -> memref<24x128xf32, #tpu.memory_space<hbm>>
    %dma_start3A_20 = arith.constant 0 : i32
    %dma_start3A_21 = arith.constant 0 : i32
    %dma_start3A_22 = tpu.memref_slice %dma_start3A_19[%dma_start3A_20, %dma_start3A_21] : memref<24x128xf32, #tpu.memory_space<hbm>> -> memref<24x128xf32, #tpu.memory_space<hbm>>
    tpu.enqueue_indirect_dma source(%dma_start3A_22 : memref<24x128xf32, #tpu.memory_space<hbm>>) target(%dma_start3A_12 : memref<128x128xf32, #tpu.memory_space<vmem>>) offsets(%dma_start3A_15 : memref<128xi32, #tpu.memory_space<vmem>>) semaphore(%arg10 : memref<!tpu.dma_semaphore, #tpu.memory_space<semaphore_mem>>)
    %mul3A_23 = arith.constant 8 : i32
    %mul3A_24 = arith.muli %add3A, %mul3A_23 : i32
    %rem3A_25 = arith.constant 1 : i32
    %rem3A_26 = arith.constant 8 : i32
    %rem3A_27 = arith.remsi %rem3A_25, %rem3A_26 : i32
    %add3A_28 = arith.addi %mul3A_24, %rem3A_27 : i32
    %dma_start3A_29 = arith.constant 1 : i32
    %dma_start3A_30 = arith.constant 1 : i32
    %dma_start3A_31 = arith.constant 0 : i32
    %dma_start3A_32 = arith.constant 0 : i32
    %dma_start3A_33 = tpu.memref_slice %arg8[%dma_start3A_30, %dma_start3A_31, %dma_start3A_32] : memref<5x128x128xf32, #tpu.memory_space<vmem>> -> memref<1x128x128xf32, #tpu.memory_space<vmem>>
    %dma_start3A_34 = tpu.memref_squeeze %dma_start3A_33 : memref<1x128x128xf32, #tpu.memory_space<vmem>> -> memref<128x128xf32, #tpu.memory_space<vmem>>
    %dma_start3A_35 = arith.constant 0 : i32
    %dma_start3A_36 = tpu.memref_slice %arg7[%dma_start3A_29, %dma_start3A_35] : memref<64x128xi32, #tpu.memory_space<vmem>> -> memref<1x128xi32, #tpu.memory_space<vmem>>
    %dma_start3A_37 = tpu.memref_squeeze %dma_start3A_36 : memref<1x128xi32, #tpu.memory_space<vmem>> -> memref<128xi32, #tpu.memory_space<vmem>>
    %dma_start3A_38 = arith.constant 0 : i32
    %dma_start3A_39 = arith.constant 0 : i32
    %dma_start3A_40 = tpu.memref_slice %arg2[%add3A_28, %dma_start3A_38, %dma_start3A_39] : memref<256x24x128xf32, #tpu.memory_space<hbm>> -> memref<1x24x128xf32, #tpu.memory_space<hbm>>
    %dma_start3A_41 = tpu.memref_squeeze %dma_start3A_40 : memref<1x24x128xf32, #tpu.memory_space<hbm>> -> memref<24x128xf32, #tpu.memory_space<hbm>>
    %dma_start3A_42 = arith.constant 0 : i32
    %dma_start3A_43 = arith.constant 0 : i32
    %dma_start3A_44 = tpu.memref_slice %dma_start3A_41[%dma_start3A_42, %dma_start3A_43] : memref<24x128xf32, #tpu.memory_space<hbm>> -> memref<24x128xf32, #tpu.memory_space<hbm>>
    tpu.enqueue_indirect_dma source(%dma_start3A_44 : memref<24x128xf32, #tpu.memory_space<hbm>>) target(%dma_start3A_34 : memref<128x128xf32, #tpu.memory_space<vmem>>) offsets(%dma_start3A_37 : memref<128xi32, #tpu.memory_space<vmem>>) semaphore(%arg10 : memref<!tpu.dma_semaphore, #tpu.memory_space<semaphore_mem>>)
    %mul3A_45 = arith.constant 8 : i32
    %mul3A_46 = arith.muli %add3A, %mul3A_45 : i32
    %rem3A_47 = arith.constant 2 : i32
    %rem3A_48 = arith.constant 8 : i32
    %rem3A_49 = arith.remsi %rem3A_47, %rem3A_48 : i32
    %add3A_50 = arith.addi %mul3A_46, %rem3A_49 : i32
    %dma_start3A_51 = arith.constant 2 : i32
    %dma_start3A_52 = arith.constant 2 : i32
    %dma_start3A_53 = arith.constant 0 : i32
    %dma_start3A_54 = arith.constant 0 : i32
    %dma_start3A_55 = tpu.memref_slice %arg8[%dma_start3A_52, %dma_start3A_53, %dma_start3A_54] : memref<5x128x128xf32, #tpu.memory_space<vmem>> -> memref<1x128x128xf32, #tpu.memory_space<vmem>>
    %dma_start3A_56 = tpu.memref_squeeze %dma_start3A_55 : memref<1x128x128xf32, #tpu.memory_space<vmem>> -> memref<128x128xf32, #tpu.memory_space<vmem>>
    %dma_start3A_57 = arith.constant 0 : i32
    %dma_start3A_58 = tpu.memref_slice %arg7[%dma_start3A_51, %dma_start3A_57] : memref<64x128xi32, #tpu.memory_space<vmem>> -> memref<1x128xi32, #tpu.memory_space<vmem>>
    %dma_start3A_59 = tpu.memref_squeeze %dma_start3A_58 : memref<1x128xi32, #tpu.memory_space<vmem>> -> memref<128xi32, #tpu.memory_space<vmem>>
    %dma_start3A_60 = arith.constant 0 : i32
    %dma_start3A_61 = arith.constant 0 : i32
    %dma_start3A_62 = tpu.memref_slice %arg2[%add3A_50, %dma_start3A_60, %dma_start3A_61] : memref<256x24x128xf32, #tpu.memory_space<hbm>> -> memref<1x24x128xf32, #tpu.memory_space<hbm>>
    %dma_start3A_63 = tpu.memref_squeeze %dma_start3A_62 : memref<1x24x128xf32, #tpu.memory_space<hbm>> -> memref<24x128xf32, #tpu.memory_space<hbm>>
    %dma_start3A_64 = arith.constant 0 : i32
    %dma_start3A_65 = arith.constant 0 : i32
    %dma_start3A_66 = tpu.memref_slice %dma_start3A_63[%dma_start3A_64, %dma_start3A_65] : memref<24x128xf32, #tpu.memory_space<hbm>> -> memref<24x128xf32, #tpu.memory_space<hbm>>
    tpu.enqueue_indirect_dma source(%dma_start3A_66 : memref<24x128xf32, #tpu.memory_space<hbm>>) target(%dma_start3A_56 : memref<128x128xf32, #tpu.memory_space<vmem>>) offsets(%dma_start3A_59 : memref<128xi32, #tpu.memory_space<vmem>>) semaphore(%arg10 : memref<!tpu.dma_semaphore, #tpu.memory_space<semaphore_mem>>)
    %scan3A = arith.constant 0 : i32
    %scan3A_67 = arith.constant 0 : i32
    %scan3A_68 = arith.constant 64 : i32
    %scan3A_69 = arith.addi %scan3A_67, %scan3A_68 : i32
    %scan3A_70 = arith.constant 1 : i32
    %scan3A_71 = scf.for %scan3A_118 = %scan3A_67 to %scan3A_69 step %scan3A_70 iter_args(%scan3A_119 = %scan3A) -> (i32)  : i32 {
      %div3A = arith.constant 4 : i32
      %div3A_120 = arith.divsi %scan3A_118, %div3A : i32
      %rem3A_121 = arith.constant 4 : i32
      %rem3A_122 = arith.remsi %scan3A_118, %rem3A_121 : i32
      %eq3A = arith.constant 1 : i32
      %eq3A_123 = arith.cmpi eq, %rem3A_122, %eq3A : i32
      %convert_element_type3A = arith.extui %eq3A_123 : i1 to i32
      %cond3A = arith.constant 0 : i32
      %cond3A_124 = arith.cmpi ne, %convert_element_type3A, %cond3A : i32
      scf.if %cond3A_124 {
        %rem3A_130 = arith.constant 5 : i32
        %rem3A_131 = arith.remsi %div3A_120, %rem3A_130 : i32
        %dma_wait3A_132 = arith.constant 0 : i32
        %dma_wait3A_133 = arith.constant 0 : i32
        %dma_wait3A_134 = arith.constant 0 : i32
        %dma_wait3A_135 = arith.constant 0 : i32
        %dma_wait3A_136 = tpu.memref_slice %arg8[%rem3A_131, %dma_wait3A_134, %dma_wait3A_135] : memref<5x128x128xf32, #tpu.memory_space<vmem>> -> memref<1x128x128xf32, #tpu.memory_space<vmem>>
        %dma_wait3A_137 = tpu.memref_squeeze %dma_wait3A_136 : memref<1x128x128xf32, #tpu.memory_space<vmem>> -> memref<128x128xf32, #tpu.memory_space<vmem>>
        %dma_wait3A_138 = arith.constant 0 : i32
        %dma_wait3A_139 = tpu.memref_slice %arg7[%dma_wait3A_133, %dma_wait3A_138] : memref<64x128xi32, #tpu.memory_space<vmem>> -> memref<1x128xi32, #tpu.memory_space<vmem>>
        %dma_wait3A_140 = tpu.memref_squeeze %dma_wait3A_139 : memref<1x128xi32, #tpu.memory_space<vmem>> -> memref<128xi32, #tpu.memory_space<vmem>>
        %dma_wait3A_141 = arith.constant 0 : i32
        %dma_wait3A_142 = arith.constant 0 : i32
        %dma_wait3A_143 = tpu.memref_slice %arg2[%dma_wait3A_132, %dma_wait3A_141, %dma_wait3A_142] : memref<256x24x128xf32, #tpu.memory_space<hbm>> -> memref<1x24x128xf32, #tpu.memory_space<hbm>>
        %dma_wait3A_144 = tpu.memref_squeeze %dma_wait3A_143 : memref<1x24x128xf32, #tpu.memory_space<hbm>> -> memref<24x128xf32, #tpu.memory_space<hbm>>
        %dma_wait3A_145 = arith.constant 0 : i32
        %dma_wait3A_146 = arith.constant 0 : i32
        %dma_wait3A_147 = tpu.memref_slice %dma_wait3A_144[%dma_wait3A_145, %dma_wait3A_146] : memref<24x128xf32, #tpu.memory_space<hbm>> -> memref<24x128xf32, #tpu.memory_space<hbm>>
        tpu.wait_indirect_dma semaphore(%arg10 : memref<!tpu.dma_semaphore, #tpu.memory_space<semaphore_mem>>) src(%dma_wait3A_147 : memref<24x128xf32, #tpu.memory_space<hbm>>) dst(%dma_wait3A_137 : memref<128x128xf32, #tpu.memory_space<vmem>>)
        %mul3A_148 = arith.constant 128 : i32
        %mul3A_149 = arith.muli %div3A_120, %mul3A_148 : i32
        %add3A_150 = arith.addi %mul3A_2, %mul3A_149 : i32
        %dma_start3A_151 = arith.constant 0 : i32
        %dma_start3A_152 = arith.constant 0 : i32
        %dma_start3A_153 = tpu.memref_slice %arg8[%rem3A_131, %dma_start3A_151, %dma_start3A_152] : memref<5x128x128xf32, #tpu.memory_space<vmem>> -> memref<1x128x128xf32, #tpu.memory_space<vmem>>
        %dma_start3A_154 = tpu.memref_squeeze %dma_start3A_153 : memref<1x128x128xf32, #tpu.memory_space<vmem>> -> memref<128x128xf32, #tpu.memory_space<vmem>>
        %dma_start3A_155 = arith.constant 0 : i32
        %dma_start3A_156 = tpu.memref_slice %arg5[%add3A_150, %dma_start3A_155] : memref<262144x128xf32, #tpu.memory_space<hbm>> -> memref<128x128xf32, #tpu.memory_space<hbm>>
        %dma_start3A_157 = arith.constant 0 : i32
        %dma_start3A_158 = tpu.memref_slice %arg5[%add3A_150, %dma_start3A_157] : memref<262144x128xf32, #tpu.memory_space<hbm>> -> memref<128x128xf32, #tpu.memory_space<hbm>>
        %dma_start3A_159 = arith.constant 0 : i32
        %dma_start3A_160 = arith.constant 0 : i32
        %dma_start3A_161 = tpu.memref_slice %arg8[%rem3A_131, %dma_start3A_159, %dma_start3A_160] : memref<5x128x128xf32, #tpu.memory_space<vmem>> -> memref<1x128x128xf32, #tpu.memory_space<vmem>>
        %dma_start3A_162 = tpu.memref_squeeze %dma_start3A_161 : memref<1x128x128xf32, #tpu.memory_space<vmem>> -> memref<128x128xf32, #tpu.memory_space<vmem>>
        tpu.enqueue_dma source(%dma_start3A_162 : memref<128x128xf32, #tpu.memory_space<vmem>>) target(%dma_start3A_158 : memref<128x128xf32, #tpu.memory_space<hbm>>) target_semaphore(%arg11 : memref<!tpu.dma_semaphore, #tpu.memory_space<semaphore_mem>>)
        %ge3A = arith.constant 2 : i32
        %ge3A_163 = arith.cmpi sge, %div3A_120, %ge3A : i32
        %convert_element_type3A_164 = arith.extui %ge3A_163 : i1 to i32
        %cond3A_165 = arith.constant 0 : i32
        %cond3A_166 = arith.cmpi ne, %convert_element_type3A_164, %cond3A_165 : i32
        scf.if %cond3A_166 {
          %dma_wait3A_173 = arith.constant 0 : i32
          %dma_wait3A_174 = arith.constant 0 : i32
          %dma_wait3A_175 = arith.constant 0 : i32
          %dma_wait3A_176 = tpu.memref_slice %arg8[%dma_wait3A_173, %dma_wait3A_174, %dma_wait3A_175] : memref<5x128x128xf32, #tpu.memory_space<vmem>> -> memref<1x128x128xf32, #tpu.memory_space<vmem>>
          %dma_wait3A_177 = tpu.memref_squeeze %dma_wait3A_176 : memref<1x128x128xf32, #tpu.memory_space<vmem>> -> memref<128x128xf32, #tpu.memory_space<vmem>>
          %dma_wait3A_178 = arith.constant 0 : i32
          %dma_wait3A_179 = tpu.memref_slice %arg5[%mul3A_2, %dma_wait3A_178] : memref<262144x128xf32, #tpu.memory_space<hbm>> -> memref<128x128xf32, #tpu.memory_space<hbm>>
          %dma_wait3A_180 = arith.constant 0 : i32
          %dma_wait3A_181 = tpu.memref_slice %arg5[%mul3A_2, %dma_wait3A_180] : memref<262144x128xf32, #tpu.memory_space<hbm>> -> memref<128x128xf32, #tpu.memory_space<hbm>>
          %dma_wait3A_182 = arith.constant 0 : i32
          %dma_wait3A_183 = arith.constant 0 : i32
          %dma_wait3A_184 = tpu.memref_slice %arg8[%dma_wait3A_173, %dma_wait3A_182, %dma_wait3A_183] : memref<5x128x128xf32, #tpu.memory_space<vmem>> -> memref<1x128x128xf32, #tpu.memory_space<vmem>>
          %dma_wait3A_185 = tpu.memref_squeeze %dma_wait3A_184 : memref<1x128x128xf32, #tpu.memory_space<vmem>> -> memref<128x128xf32, #tpu.memory_space<vmem>>
          tpu.wait_dma2 semaphore(%arg11 : memref<!tpu.dma_semaphore, #tpu.memory_space<semaphore_mem>>) src(%dma_wait3A_185 : memref<128x128xf32, #tpu.memory_space<vmem>>) dst(%dma_wait3A_181 : memref<128x128xf32, #tpu.memory_space<hbm>>)
        } else {
        }
        %add3A_167 = arith.constant 3 : i32
        %add3A_168 = arith.addi %div3A_120, %add3A_167 : i32
        %lt3A = arith.constant 16 : i32
        %lt3A_169 = arith.cmpi slt, %add3A_168, %lt3A : i32
        %convert_element_type3A_170 = arith.extui %lt3A_169 : i1 to i32
        %cond3A_171 = arith.constant 0 : i32
        %cond3A_172 = arith.cmpi ne, %convert_element_type3A_170, %cond3A_171 : i32
        scf.if %cond3A_172 {
          %add3A_173 = arith.constant 3 : i32
          %add3A_174 = arith.addi %div3A_120, %add3A_173 : i32
          %add3A_175 = arith.constant 3 : i32
          %add3A_176 = arith.addi %div3A_120, %add3A_175 : i32
          %rem3A_177 = arith.constant 5 : i32
          %rem3A_178 = arith.remsi %add3A_176, %rem3A_177 : i32
          %mul3A_179 = arith.constant 8 : i32
          %mul3A_180 = arith.muli %add3A, %mul3A_179 : i32
          %rem3A_181 = arith.constant 8 : i32
          %rem3A_182 = arith.remsi %add3A_174, %rem3A_181 : i32
          %add3A_183 = arith.addi %mul3A_180, %rem3A_182 : i32
          %dma_start3A_184 = arith.constant 0 : i32
          %dma_start3A_185 = arith.constant 0 : i32
          %dma_start3A_186 = tpu.memref_slice %arg8[%rem3A_178, %dma_start3A_184, %dma_start3A_185] : memref<5x128x128xf32, #tpu.memory_space<vmem>> -> memref<1x128x128xf32, #tpu.memory_space<vmem>>
          %dma_start3A_187 = tpu.memref_squeeze %dma_start3A_186 : memref<1x128x128xf32, #tpu.memory_space<vmem>> -> memref<128x128xf32, #tpu.memory_space<vmem>>
          %dma_start3A_188 = arith.constant 0 : i32
          %dma_start3A_189 = tpu.memref_slice %arg7[%add3A_174, %dma_start3A_188] : memref<64x128xi32, #tpu.memory_space<vmem>> -> memref<1x128xi32, #tpu.memory_space<vmem>>
          %dma_start3A_190 = tpu.memref_squeeze %dma_start3A_189 : memref<1x128xi32, #tpu.memory_space<vmem>> -> memref<128xi32, #tpu.memory_space<vmem>>
          %dma_start3A_191 = arith.constant 0 : i32
          %dma_start3A_192 = arith.constant 0 : i32
          %dma_start3A_193 = tpu.memref_slice %arg2[%add3A_183, %dma_start3A_191, %dma_start3A_192] : memref<256x24x128xf32, #tpu.memory_space<hbm>> -> memref<1x24x128xf32, #tpu.memory_space<hbm>>
          %dma_start3A_194 = tpu.memref_squeeze %dma_start3A_193 : memref<1x24x128xf32, #tpu.memory_space<hbm>> -> memref<24x128xf32, #tpu.memory_space<hbm>>
          %dma_start3A_195 = arith.constant 0 : i32
          %dma_start3A_196 = arith.constant 0 : i32
          %dma_start3A_197 = tpu.memref_slice %dma_start3A_194[%dma_start3A_195, %dma_start3A_196] : memref<24x128xf32, #tpu.memory_space<hbm>> -> memref<24x128xf32, #tpu.memory_space<hbm>>
          tpu.enqueue_indirect_dma source(%dma_start3A_197 : memref<24x128xf32, #tpu.memory_space<hbm>>) target(%dma_start3A_187 : memref<128x128xf32, #tpu.memory_space<vmem>>) offsets(%dma_start3A_190 : memref<128xi32, #tpu.memory_space<vmem>>) semaphore(%arg10 : memref<!tpu.dma_semaphore, #tpu.memory_space<semaphore_mem>>)
        } else {
        }
      } else {
      }
      %not3A = arith.constant true
      %not3A_125 = arith.xori %eq3A_123, %not3A : i1
      %convert_element_type3A_126 = arith.extui %not3A_125 : i1 to i32
      %cond3A_127 = arith.constant 0 : i32
      %cond3A_128 = arith.cmpi ne, %convert_element_type3A_126, %cond3A_127 : i32
      scf.if %cond3A_128 {
        %mul3A_130 = arith.constant 3 : i32
        %mul3A_131 = arith.muli %div3A_120, %mul3A_130 : i32
        %add3A_132 = arith.addi %mul3A_131, %rem3A_122 : i32
        %gt3A = arith.constant 1 : i32
        %gt3A_133 = arith.cmpi sgt, %rem3A_122, %gt3A : i32
        %jit3A = arith.constant 1 : i32
        %jit3A_134 = arith.constant 0 : i32
        %select_n3A = arith.select %gt3A_133, %jit3A, %jit3A_134 : i32
        %sub3A = arith.subi %add3A_132, %select_n3A : i32
        %ge3A = arith.constant 2 : i32
        %ge3A_135 = arith.cmpi sge, %sub3A, %ge3A : i32
        %convert_element_type3A_136 = arith.extui %ge3A_135 : i1 to i32
        %cond3A_137 = arith.constant 0 : i32
        %cond3A_138 = arith.cmpi ne, %convert_element_type3A_136, %cond3A_137 : i32
        scf.if %cond3A_138 {
          %dma_wait3A_163 = arith.constant 0 : i32
          %dma_wait3A_164 = arith.constant 0 : i32
          %dma_wait3A_165 = tpu.memref_slice %arg9[%dma_wait3A_163, %dma_wait3A_164] : memref<256x128xf32, #tpu.memory_space<vmem>> -> memref<128x128xf32, #tpu.memory_space<vmem>>
          %dma_wait3A_166 = arith.constant 0 : i32
          %dma_wait3A_167 = tpu.memref_slice %arg5[%mul3A_2, %dma_wait3A_166] : memref<262144x128xf32, #tpu.memory_space<hbm>> -> memref<128x128xf32, #tpu.memory_space<hbm>>
          %dma_wait3A_168 = arith.constant 0 : i32
          %dma_wait3A_169 = tpu.memref_slice %arg5[%mul3A_2, %dma_wait3A_168] : memref<262144x128xf32, #tpu.memory_space<hbm>> -> memref<128x128xf32, #tpu.memory_space<hbm>>
          %dma_wait3A_170 = arith.constant 0 : i32
          %dma_wait3A_171 = arith.constant 0 : i32
          %dma_wait3A_172 = tpu.memref_slice %arg9[%dma_wait3A_170, %dma_wait3A_171] : memref<256x128xf32, #tpu.memory_space<vmem>> -> memref<128x128xf32, #tpu.memory_space<vmem>>
          tpu.wait_dma2 semaphore(%arg12 : memref<!tpu.dma_semaphore, #tpu.memory_space<semaphore_mem>>) src(%dma_wait3A_172 : memref<128x128xf32, #tpu.memory_space<vmem>>) dst(%dma_wait3A_169 : memref<128x128xf32, #tpu.memory_space<hbm>>)
        } else {
        }
        %add3A_139 = arith.constant 16 : i32
        %add3A_140 = arith.addi %add3A_139, %sub3A : i32
        %rem3A_141 = arith.constant 2 : i32
        %rem3A_142 = arith.remsi %sub3A, %rem3A_141 : i32
        %scan3A_143 = arith.constant 0 : i32
        %scan3A_144 = arith.constant 0 : i32
        %scan3A_145 = arith.constant 8 : i32
        %scan3A_146 = arith.addi %scan3A_144, %scan3A_145 : i32
        %scan3A_147 = arith.constant 1 : i32
        %scan3A_148 = scf.for %scan3A_163 = %scan3A_144 to %scan3A_146 step %scan3A_147 iter_args(%scan3A_164 = %scan3A_143) -> (i32)  : i32 {
          %mul3A_165 = arith.constant 16 : i32
          %mul3A_166 = arith.muli %scan3A_163, %mul3A_165 : i32
          %get3A = arith.index_cast %add3A_140 : i32 to index
          %get3A_167 = arith.index_cast %mul3A_166 : i32 to index
          %get3A_168 = tpu.vector_load %arg7[%get3A, %get3A_167] {strides = array<i32>} : memref<64x128xi32, #tpu.memory_space<vmem>>, vector<16xi32>,
          %mul3A_169 = arith.constant 128 : i32
          %mul3A_170 = arith.muli %rem3A_142, %mul3A_169 : i32
          %add3A_171 = arith.addi %mul3A_170, %mul3A_166 : i32
          %iota3A = tpu.iota {dimensions = array<i32: 0>} : vector<16xi32>
          %add3A_172 = vector.broadcast %add3A_171 : i32 to vector<16xi32>
          %add3A_173 = arith.addi %add3A_172, %iota3A : vector<16xi32>
          %parallel_loop3A = arith.constant 0 : i32
          %parallel_loop3A_174 = arith.constant 128 : i32
          %parallel_loop3A_175 = arith.constant 1 : i32
          scf.for %parallel_loop3A_177 = %parallel_loop3A to %parallel_loop3A_174 step %parallel_loop3A_175  : i32 {
            %parallel_loop3A_178 = tpu.iota {dimensions = array<i32: 0>} : vector<16xi32>
            %parallel_loop3A_179 = vector.broadcast %parallel_loop3A_177 : i32 to vector<16xi32>
            %parallel_loop3A_180 = arith.addi %parallel_loop3A_178, %parallel_loop3A_179 : vector<16xi32>
            %parallel_loop3A_181 = arith.constant 15 : i32
            %parallel_loop3A_182 = vector.broadcast %parallel_loop3A_181 : i32 to vector<16xi32>
            %parallel_loop3A_183 = arith.andi %parallel_loop3A_180, %parallel_loop3A_182 : vector<16xi32>
            %parallel_loop3A_184 = arith.constant -16 : i32
            %parallel_loop3A_185 = arith.andi %parallel_loop3A_177, %parallel_loop3A_184 : i32
            %parallel_loop3A_186 = vector.broadcast %parallel_loop3A_185 : i32 to vector<16xi32>
            %parallel_loop3A_187 = arith.addi %parallel_loop3A_183, %parallel_loop3A_186 : vector<16xi32>
            %parallel_loop3A_188 = tpu.vector_load_idx %arg6[%get3A_168, %parallel_loop3A_187] : memref<24x128xf32, #tpu.memory_space<vmem>>[vector<16xi32>, vector<16xi32>], vector<16xf32>,
            tpu.vector_store_idx %arg9[%add3A_173, %parallel_loop3A_187], %parallel_loop3A_188 : memref<256x128xf32, #tpu.memory_space<vmem>>[vector<16xi32>, vector<16xi32>], vector<16xf32>,
          } {sc.loop_unroll_factor = 8 : i64, sc.parallel_access}
          %scan3A_176 = arith.constant 0 : i32
          scf.yield %scan3A_176 : i32
        }
        %scan3A_149 = arith.constant 8 : i32
        %mul3A_150 = arith.constant 128 : i32
        %mul3A_151 = arith.muli %rem3A_142, %mul3A_150 : i32
        %mul3A_152 = arith.constant 128 : i32
        %mul3A_153 = arith.muli %add3A_140, %mul3A_152 : i32
        %add3A_154 = arith.addi %mul3A_2, %mul3A_153 : i32
        %dma_start3A_155 = arith.constant 0 : i32
        %dma_start3A_156 = tpu.memref_slice %arg9[%mul3A_151, %dma_start3A_155] : memref<256x128xf32, #tpu.memory_space<vmem>> -> memref<128x128xf32, #tpu.memory_space<vmem>>
        %dma_start3A_157 = arith.constant 0 : i32
        %dma_start3A_158 = tpu.memref_slice %arg5[%add3A_154, %dma_start3A_157] : memref<262144x128xf32, #tpu.memory_space<hbm>> -> memref<128x128xf32, #tpu.memory_space<hbm>>
        %dma_start3A_159 = arith.constant 0 : i32
        %dma_start3A_160 = tpu.memref_slice %arg5[%add3A_154, %dma_start3A_159] : memref<262144x128xf32, #tpu.memory_space<hbm>> -> memref<128x128xf32, #tpu.memory_space<hbm>>
        %dma_start3A_161 = arith.constant 0 : i32
        %dma_start3A_162 = tpu.memref_slice %arg9[%mul3A_151, %dma_start3A_161] : memref<256x128xf32, #tpu.memory_space<vmem>> -> memref<128x128xf32, #tpu.memory_space<vmem>>
        tpu.enqueue_dma source(%dma_start3A_162 : memref<128x128xf32, #tpu.memory_space<vmem>>) target(%dma_start3A_160 : memref<128x128xf32, #tpu.memory_space<hbm>>) target_semaphore(%arg12 : memref<!tpu.dma_semaphore, #tpu.memory_space<semaphore_mem>>)
      } else {
      }
      %scan3A_129 = arith.constant 0 : i32
      scf.yield %scan3A_129 : i32
    }
    %scan3A_72 = arith.constant 64 : i32
    %dma_wait3A = arith.constant 0 : i32
    %dma_wait3A_73 = arith.constant 0 : i32
    %dma_wait3A_74 = arith.constant 0 : i32
    %dma_wait3A_75 = tpu.memref_slice %arg8[%dma_wait3A, %dma_wait3A_73, %dma_wait3A_74] : memref<5x128x128xf32, #tpu.memory_space<vmem>> -> memref<1x128x128xf32, #tpu.memory_space<vmem>>
    %dma_wait3A_76 = tpu.memref_squeeze %dma_wait3A_75 : memref<1x128x128xf32, #tpu.memory_space<vmem>> -> memref<128x128xf32, #tpu.memory_space<vmem>>
    %dma_wait3A_77 = arith.constant 0 : i32
    %dma_wait3A_78 = tpu.memref_slice %arg5[%mul3A_2, %dma_wait3A_77] : memref<262144x128xf32, #tpu.memory_space<hbm>> -> memref<128x128xf32, #tpu.memory_space<hbm>>
    %dma_wait3A_79 = arith.constant 0 : i32
    %dma_wait3A_80 = tpu.memref_slice %arg5[%mul3A_2, %dma_wait3A_79] : memref<262144x128xf32, #tpu.memory_space<hbm>> -> memref<128x128xf32, #tpu.memory_space<hbm>>
    %dma_wait3A_81 = arith.constant 0 : i32
    %dma_wait3A_82 = arith.constant 0 : i32
    %dma_wait3A_83 = tpu.memref_slice %arg8[%dma_wait3A, %dma_wait3A_81, %dma_wait3A_82] : memref<5x128x128xf32, #tpu.memory_space<vmem>> -> memref<1x128x128xf32, #tpu.memory_space<vmem>>
    %dma_wait3A_84 = tpu.memref_squeeze %dma_wait3A_83 : memref<1x128x128xf32, #tpu.memory_space<vmem>> -> memref<128x128xf32, #tpu.memory_space<vmem>>
    tpu.wait_dma2 semaphore(%arg11 : memref<!tpu.dma_semaphore, #tpu.memory_space<semaphore_mem>>) src(%dma_wait3A_84 : memref<128x128xf32, #tpu.memory_space<vmem>>) dst(%dma_wait3A_80 : memref<128x128xf32, #tpu.memory_space<hbm>>)
    %dma_wait3A_85 = arith.constant 0 : i32
    %dma_wait3A_86 = arith.constant 0 : i32
    %dma_wait3A_87 = arith.constant 0 : i32
    %dma_wait3A_88 = tpu.memref_slice %arg8[%dma_wait3A_85, %dma_wait3A_86, %dma_wait3A_87] : memref<5x128x128xf32, #tpu.memory_space<vmem>> -> memref<1x128x128xf32, #tpu.memory_space<vmem>>
    %dma_wait3A_89 = tpu.memref_squeeze %dma_wait3A_88 : memref<1x128x128xf32, #tpu.memory_space<vmem>> -> memref<128x128xf32, #tpu.memory_space<vmem>>
    %dma_wait3A_90 = arith.constant 0 : i32
    %dma_wait3A_91 = tpu.memref_slice %arg5[%mul3A_2, %dma_wait3A_90] : memref<262144x128xf32, #tpu.memory_space<hbm>> -> memref<128x128xf32, #tpu.memory_space<hbm>>
    %dma_wait3A_92 = arith.constant 0 : i32
    %dma_wait3A_93 = tpu.memref_slice %arg5[%mul3A_2, %dma_wait3A_92] : memref<262144x128xf32, #tpu.memory_space<hbm>> -> memref<128x128xf32, #tpu.memory_space<hbm>>
    %dma_wait3A_94 = arith.constant 0 : i32
    %dma_wait3A_95 = arith.constant 0 : i32
    %dma_wait3A_96 = tpu.memref_slice %arg8[%dma_wait3A_85, %dma_wait3A_94, %dma_wait3A_95] : memref<5x128x128xf32, #tpu.memory_space<vmem>> -> memref<1x128x128xf32, #tpu.memory_space<vmem>>
    %dma_wait3A_97 = tpu.memref_squeeze %dma_wait3A_96 : memref<1x128x128xf32, #tpu.memory_space<vmem>> -> memref<128x128xf32, #tpu.memory_space<vmem>>
    tpu.wait_dma2 semaphore(%arg11 : memref<!tpu.dma_semaphore, #tpu.memory_space<semaphore_mem>>) src(%dma_wait3A_97 : memref<128x128xf32, #tpu.memory_space<vmem>>) dst(%dma_wait3A_93 : memref<128x128xf32, #tpu.memory_space<hbm>>)
    %dma_wait3A_98 = arith.constant 0 : i32
    %dma_wait3A_99 = arith.constant 0 : i32
    %dma_wait3A_100 = tpu.memref_slice %arg9[%dma_wait3A_98, %dma_wait3A_99] : memref<256x128xf32, #tpu.memory_space<vmem>> -> memref<128x128xf32, #tpu.memory_space<vmem>>
    %dma_wait3A_101 = arith.constant 0 : i32
    %dma_wait3A_102 = tpu.memref_slice %arg5[%mul3A_2, %dma_wait3A_101] : memref<262144x128xf32, #tpu.memory_space<hbm>> -> memref<128x128xf32, #tpu.memory_space<hbm>>
    %dma_wait3A_103 = arith.constant 0 : i32
    %dma_wait3A_104 = tpu.memref_slice %arg5[%mul3A_2, %dma_wait3A_103] : memref<262144x128xf32, #tpu.memory_space<hbm>> -> memref<128x128xf32, #tpu.memory_space<hbm>>
    %dma_wait3A_105 = arith.constant 0 : i32
    %dma_wait3A_106 = arith.constant 0 : i32
    %dma_wait3A_107 = tpu.memref_slice %arg9[%dma_wait3A_105, %dma_wait3A_106] : memref<256x128xf32, #tpu.memory_space<vmem>> -> memref<128x128xf32, #tpu.memory_space<vmem>>
    tpu.wait_dma2 semaphore(%arg12 : memref<!tpu.dma_semaphore, #tpu.memory_space<semaphore_mem>>) src(%dma_wait3A_107 : memref<128x128xf32, #tpu.memory_space<vmem>>) dst(%dma_wait3A_104 : memref<128x128xf32, #tpu.memory_space<hbm>>)
    %dma_wait3A_108 = arith.constant 0 : i32
    %dma_wait3A_109 = arith.constant 0 : i32
    %dma_wait3A_110 = tpu.memref_slice %arg9[%dma_wait3A_108, %dma_wait3A_109] : memref<256x128xf32, #tpu.memory_space<vmem>> -> memref<128x128xf32, #tpu.memory_space<vmem>>
    %dma_wait3A_111 = arith.constant 0 : i32
    %dma_wait3A_112 = tpu.memref_slice %arg5[%mul3A_2, %dma_wait3A_111] : memref<262144x128xf32, #tpu.memory_space<hbm>> -> memref<128x128xf32, #tpu.memory_space<hbm>>
    %dma_wait3A_113 = arith.constant 0 : i32
    %dma_wait3A_114 = tpu.memref_slice %arg5[%mul3A_2, %dma_wait3A_113] : memref<262144x128xf32, #tpu.memory_space<hbm>> -> memref<128x128xf32, #tpu.memory_space<hbm>>
    %dma_wait3A_115 = arith.constant 0 : i32
    %dma_wait3A_116 = arith.constant 0 : i32
    %dma_wait3A_117 = tpu.memref_slice %arg9[%dma_wait3A_115, %dma_wait3A_116] : memref<256x128xf32, #tpu.memory_space<vmem>> -> memref<128x128xf32, #tpu.memory_space<vmem>>
    tpu.wait_dma2 semaphore(%arg12 : memref<!tpu.dma_semaphore, #tpu.memory_space<semaphore_mem>>) src(%dma_wait3A_117 : memref<128x128xf32, #tpu.memory_space<vmem>>) dst(%dma_wait3A_114 : memref<128x128xf32, #tpu.memory_space<hbm>>)
    return
  }
}

</mosaic_0001>

<sc_bundles>
// kernel: kernel.3.cloned.1.call-start
scs
__scs_entry_jumppad:
0x0: {  	(pc) =	sbr.rel $0x88, $3  }
0x1: {  	(tag) =	ssettag $0x0;
	lr =	simm.s32 $0x1  }
0x2: {  	[smem:$0x3F9F] =	sst lr;
	_ =	strace $0xD0000000  }
0x3: {  	_ = 	snop  }
0x4: {  	_ = 	snop  }
0x5: {  	_ = 	snop  }
0x6: {  	_ = 	snop  }
0x7: {  	_ = 	snop  }
__scs_overlays_trampoline_lowered:
0x8: {  	[smem:$0x3FAE] =	sst s0  }
0x9: {  	[smem:$0x3FAF] =	sst s1  }
0xa: {  	[smem:$0x3FB0] =	sst s2  }
0xb: {  	[smem:$0x3FB1] =	sst s3  }
0xc: {  	[smem:$0x3FB2] =	sst s4  }
0xd: {  	[smem:$0x3FB3] =	sst s5  }
0xe: {  	[smem:$0x3FB4] =	sst s6  }
0xf: {  	[smem:$0x3FB5] =	sst s7  }
0x10: {  	[smem:$0x3FB6] =	sst s8  }
0x11: {  	[smem:$0x3FB7] =	sst s9;
	s0 =	simm.s32 @!p0 $0x0  }
0x12: {  	s1 =	sld [smem:$0x3F9D];
	s0 =	simm.s32 @p0 $0x1  }
0x13: {  	[smem:$0x3FB8] =	sst s0;
	s0 =	simm.s32 @!p1 $0x0  }
0x14: {  	s2 =	sld [smem:$0x3F9C];
	s0 =	simm.s32 @p1 $0x1  }
0x15: {  	[smem:$0x3FB9] =	sst s0;
	s0 =	simm.s32 @!p2 $0x0  }
0x16: {  	s3 =	sld [smem:$0x3FDB];
	s0 =	simm.s32 @p2 $0x1  }
0x17: {  	s4 =	simm.s32 $0x1BF5;
	[smem:$0x3FBB] =	sst s0  }
0x18: {  	s0 =	sld [smem:$0x3F9E];
	_ =	swait.ge [sflag:s4], $0x0  }
0x19: {  	s7 =	sld [smem:$0x3F9F]  }
0x1a: {  	s8 =	sadd.s32 $0xFFFFE003, lr  }
0x1b: {  	s9 =	sadd.s32 $0xFFFFFEF7, lr;
	s5 =	simm.s32 $0xFFFFFFFF;
	p2 =	slt.u32 s8, $0xFFFFF086  }
0x1c: {  	p1 =	slt.u32 s9, $0xF7A;
	s5 =	simm.s32 @!p2 $0x0  }
0x1d: {  	s5 =	simm.s32 @p1 $0x1;
	p0 =	seq.s32 s7, s2  }
0x1e: {  	s7 =	smul.u32 @!p0 $0xF7A, s2;
	p2 =	seq.s32 @!p0 s5, $0x0  }
0x1f: {  	s9 =	smul.u32 $0xF7A, s1;
	s8 =	simm.s32 @!p0 $0x1BF5;
	p2 =	por !p2, p0  }
0x20: {  	[sflag:s8] =	ssyncset.s32 @!p0 $0xFFFFF086;
	s6 =	sadd.s32 @!p0 s3, s7;
	s7 =	simm.s32 @!p0 $0x108  }
0x21: {  	s3 =	sadd.s32 s3, s9;
	s6 =	sadd.s32 @!p0 $0x88, s6;
	s7 =	simm.s32 @p2 $0x1082  }
0x22: {  	[simem:s7], [sflag:s8] =	dma.local @!p0 [hbm:s6], $0xF7A  }
0x23: {  	s9 =	sor.u32 $0xD0000000, s2;
	s6 =	simm.s32 $0x108;
	_ =	swait.ge @!p0 [sflag:s8], $0x0  }
0x24: {  	s3 =	sadd.s32 $0x88, s3;
	s6 =	simm.s32 @!p1 $0x1082;
	[sflag:s4] =	ssyncset.s32 $0xFFFFF086  }
0x25: {  	[simem:s6], [sflag:s4] =	dma.local [hbm:s3], $0xF7A  }
0x26: {  	[smem:$0x3F9F] =	sst s1;
	(tag) =	ssettag s2;
	_ =	strace s9  }
0x27: {  	s1 =	sld [smem:$0x3FAF]  }
0x28: {  	s2 =	sld [smem:$0x3FB0]  }
0x29: {  	s4 =	sld [smem:$0x3FB2]  }
0x2a: {  	p0 =	seq.s32 s5, $0x0;
	s5 =	sld [smem:$0x3FB3]  }
0x2b: {  	s6 =	sld [smem:$0x3FB4]  }
0x2c: {  	s7 =	sld [smem:$0x3FB5]  }
0x2d: {  	s3 =	simm.s32 $0x108;
	s8 =	sld [smem:$0x3FB6]  }
0x2e: {  	s3 =	simm.s32 @!p0 $0x1082;
	s9 =	sld [smem:$0x3FB7]  }
0x2f: {  	lr =	sadd.s32 s0, s3;
	s0 =	sld [smem:$0x3FAE]  }
0x30: {  	s3 =	sld [smem:$0x3FB1]  }
0x31: {  	[smem:$0x3FBA] =	sst s10  }
0x32: {  	s10 =	sld [smem:$0x3FB8];
	_ =	sdelay $0x3  }
0x33: {  	p0 =	seq.s32 s10, $0x1;
	s10 =	sld [smem:$0x3FBA];
	_ =	sdelay $0x3  }
0x34: {  	[smem:$0x3FBA] =	sst s10  }
0x35: {  	s10 =	sld [smem:$0x3FB9];
	_ =	sdelay $0x3  }
0x36: {  	p1 =	seq.s32 s10, $0x1;
	s10 =	sld [smem:$0x3FBA];
	_ =	sdelay $0x3  }
0x37: {  	[smem:$0x3FBA] =	sst s10  }
0x38: {  	s10 =	sld [smem:$0x3FBB]  }
0x39: {  	_ = 	snop;
	(pc) =	sbr.ind lr, $3  }
0x3a: {  	_ = 	snop  }
0x3b: {  	_ = 	snop  }
0x3c: {  	p2 =	seq.s32 s10, $0x1;
	s10 =	sld [smem:$0x3FBA]  }
0x3d: {  	_ =	shalt  }
0x3e: {  	_ =	shalt  }
0x3f: {  	_ =	shalt  }
0x40: {  	_ =	shalt  }
0x41: {  	_ =	shalt  }
0x42: {  	_ =	shalt  }
0x43: {  	_ =	shalt  }
0x44: {  	_ =	shalt  }
0x45: {  	_ =	shalt  }
0x46: {  	_ =	shalt  }
0x47: {  	_ =	shalt  }
0x48: {  	_ =	shalt  }
0x49: {  	_ =	shalt  }
0x4a: {  	_ =	shalt  }
0x4b: {  	_ =	shalt  }
0x4c: {  	_ =	shalt  }
0x4d: {  	_ =	shalt  }
0x4e: {  	_ =	shalt  }
0x4f: {  	_ =	shalt  }
0x50: {  	_ =	shalt  }
0x51: {  	_ =	shalt  }
0x52: {  	_ =	shalt  }
0x53: {  	_ =	shalt  }
0x54: {  	_ =	shalt  }
0x55: {  	_ =	shalt  }
0x56: {  	_ =	shalt  }
0x57: {  	_ =	shalt  }
0x58: {  	_ =	shalt  }
0x59: {  	_ =	shalt  }
0x5a: {  	_ =	shalt  }
0x5b: {  	_ =	shalt  }
0x5c: {  	_ =	shalt  }
0x5d: {  	_ =	shalt  }
0x5e: {  	_ =	shalt  }
0x5f: {  	_ =	shalt  }
0x60: {  	_ =	shalt  }
0x61: {  	_ =	shalt  }
0x62: {  	_ =	shalt  }
0x63: {  	_ =	shalt  }
0x64: {  	_ =	shalt  }
0x65: {  	_ =	shalt  }
0x66: {  	_ =	shalt  }
0x67: {  	_ =	shalt  }
0x68: {  	_ =	shalt  }
0x69: {  	_ =	shalt  }
0x6a: {  	_ =	shalt  }
0x6b: {  	_ =	shalt  }
0x6c: {  	_ =	shalt  }
0x6d: {  	_ =	shalt  }
0x6e: {  	_ =	shalt  }
0x6f: {  	_ =	shalt  }
0x70: {  	_ =	shalt  }
0x71: {  	_ =	shalt  }
0x72: {  	_ =	shalt  }
0x73: {  	_ =	shalt  }
0x74: {  	_ =	shalt  }
0x75: {  	_ =	shalt  }
0x76: {  	_ =	shalt  }
0x77: {  	_ =	shalt  }
0x78: {  	_ =	shalt  }
0x79: {  	_ =	shalt  }
0x7a: {  	_ =	shalt  }
0x7b: {  	_ =	shalt  }
0x7c: {  	_ =	shalt  }
0x7d: {  	_ =	shalt  }
0x7e: {  	_ =	shalt  }
0x7f: {  	_ =	shalt  }
0x80: {  	_ =	shalt  }
0x81: {  	_ =	shalt  }
0x82: {  	_ =	shalt  }
0x83: {  	_ =	shalt  }
0x84: {  	_ =	shalt  }
0x85: {  	_ =	shalt  }
0x86: {  	_ =	shalt  }
0x87: {  	_ =	shalt  }
.Lfunc_end0:
.L_simem_size_0:
called_computation_lowered:
.L_overlay_start_0:
0x88: {  	s2 =	sld [smem:$0x3FD9]  }
0x89: {  	s3 =	sld [smem:$0x3FFE];
	_ =	sdelay $0x1  }
0x8a: {  	s1 =	srdreg.scid  }
0x8b: {  	s0 =	sand.u32 $0x1, s1  }
0x8c: {  	s17 =	sshll.u32 s0, $0xA;
	s2 =	sadd.s32 s3, s2  }
0x8d: {  	s2 =	sadd.s32 s2, s17  }
0x8e: {  	[smem:$0x3FC6] =	sst s2  }
0x8f: {  	_ = 	snop  }
0x90: {  	s2 =	sld [smem:$0x3FC8]  }
0x91: {  	s18 =	sld [smem:$0x3FD0];
	(tm) =	ssettm $0x1  }
0x92: {  	s4 =	sld [smem:$0x3FFB];
	_ =	sdelay $0x3  }
0x93: {  	_ =	strace s4  }
0x94: {  	s4 =	sld [smem:$0x3FFC];
	_ =	sdelay $0x3  }
0x95: {  	_ =	strace s4  }
0x96: {  	s4 =	sld [smem:$0x3FFD];
	_ =	sdelay $0x3  }
0x97: {  	_ =	strace s4  }
0x98: {  	_ =	strace $0x8FFFFFFF  }
0x99: {  	s19 =	sld [smem:$0x3FDB];
	_ =	sdelay $0x1  }
0x9a: {  	s5 =	simm.s32 $_scs_section_size  }
0x9b: {  	s6 =	simm.s32 $_size__tile_overlayer_lowered;
	s7 =	simm.s32 $_tile_overlayer_lowered  }
0x9c: {  	s22 =	simm.s32 $0x1BFF;
	s21 =	sshll.u32 s7, $0x1;
	s4 =	sadd.s32 s5, s19  }
0x9d: {  	s8 =	simm.s32 $0x0;
	s20 =	sshll.u32 s6, $0x1;
	s6 =	sadd.s32 s21, s4  }
0x9e: {  	[timem:s8], [sflag:s22] =	dma.local [hbm:s6], s20  }
0x9f: {  	_ =	swait.ge [sflag:s22], s20  }
0xa0: {  	s5 =	ssub.s32 $0x0, s20;
	[sflag:s22] =	ssyncset.done $0x0  }
0xa1: {  	[sflag:s22] =	ssyncadd.s32 s5;
	_ =	sdelay $0x1  }
0xa2: {  	s23 =	simm.s32 $0x1B8B  }
0xa3: {  	_ =	swait.ge [sflag:s23], $0x1  }
0xa4: {  	[sflag:s23] =	ssyncset.done $0x0  }
0xa5: {  	s25 =	simm.s32 $0x1B8E;
	s24 =	sld [smem:$0x3FFE];
	[sflag:s23] =	ssyncadd.s32 $0xFFFFFFFF  }
0xa6: {  	s26 =	simm.s32 $execute0_lowered;
	[smem:$0x3FD2] =	sst s25  }
0xa7: {  	s6 =	sshll.u32 s26, $0x1;
	_ =	strace $0x80000046;
	[dreg:$0x1] =	wrdreg $0xFFFFFFFF  }
0xa8: {  	s28 =	simm.s32 $_size_execute0_lowered;
	s4 =	sadd.s32 s4, s6;
	[dreg:$0x0] =	wrdreg $0x0  }
0xa9: {  	s6 =	sshll.u32 s28, $0x1;
	[dreg:$0x2] =	wrdreg s4  }
0xaa: {  	[dreg:$0x3] =	wrdreg s6  }
0xab: {  	[dreg:$0x4] =	wrdreg $0xC0  }
0xac: {  	_ =	task [dreg:s8], $0x5FFFF  }
0xad: {  	[dreg:$0x1] =	wrdreg $0xFFFFFFFF  }
0xae: {  	[dreg:$0x0] =	wrdreg $0x60  }
0xaf: {  	[dreg:$0x2] =	wrdreg s24  }
0xb0: {  	[dreg:$0x3] =	wrdreg s2  }
0xb1: {  	[dreg:$0x4] =	wrdreg s18  }
0xb2: {  	[dreg:$0x5] =	wrdreg $0x9  }
0xb3: {  	_ =	task.clear_ibuf [dreg:s8], $0x6FFFF;
	_ =	strace $0x90000046  }
0xb4: {  	s29 =	simm.s32 $0x9;
	_ =	strace $0x80000048  }
0xb5: {  	_ =	swait.ge [sflag:s29], $0x1  }
0xb6: {  	[sflag:s29] =	ssyncadd.s32 $0xFFFFFFFF  }
0xb7: {  	_ =	strace $0x90000048  }
0xb8: {  	_ =	sfence  }
0xb9: {  	s30 =	sld [smem:$0x0];
	_ =	sdelay $0x2  }
0xba: {  	s31 =	sshll.u32 s1, $0xD;
	s1 =	sshrl.u32 s1, $0x2  }
0xbb: {  	s3 =	sand.u32 $0x4000, s31;
	s1 =	sadd.s32 s1, s30  }
0xbc: {  	s0 =	sor.u32 s3, s0;
	s1 =	sshll.u32 s1, $0x11  }
0xbd: {  	s0 =	sor.u32 s1, s0  }
0xbe: {  	s0 =	sadd.s32 $0x8F2B, s0  }
0xbf: {  	[sflag:s0] =	ssyncadd.remote.s32 $0x1  }
0xc0: {  	_ =	sfence.sel $0xFFFF  }
0xc1: {  	[dreg:$0x0] =	wrdreg $0xFFFFFFFF;
	(pc) =	sbr.abs _section_cstart, $3  }
0xc2: {  	[dreg:$0x1] =	wrdreg $0xFFFFFFFF  }
0xc3: {  	_ =	task.clear_ibuf [dreg:s8], $0x2FFFF;
	_ =	strace $0x9FFFFFFF  }
0xc4: {  	(tm) =	ssettm $0x7FFFFFFF  }
0xc5: {  	_ =	shalt  }
tec
execute0_lowered:
.L_overlay_start_1:
0x0: {  	(tag) =	ssettag $0x1  }
0x1: {  	s0 =	rddreg [dreg:$0x0]  }
0x2: {  	s3 =	rddreg [dreg:$0x2];
	s1 =	srdreg.scid  }
0x3: {  	s2 =	stileid.u32;
	s4 =	simm.s32 $0x0;
	s14 =	simm.s32 $0x4  }
0x4: {  	s15 =	simm.s32 $0xC00;
	s16 =	simm.s32 $0x80;
	s21 =	simm.s32 $0xAC00  }
0x5: {  	s22 =	simm.s32 $0x1;
	s23 =	simm.s32 $0x2;
	s24 =	simm.s32 $0x3  }
0x6: {  	s25 =	simm.s32 $0x16C00;
	s1 =	sand.u32 $0x1, s1;
	s2 =	sshll.u32 s2, $0x1  }
0x7: {  	s26 =	simm.s32 $0x0;
	[smem:$0x7FF] =	sst s4;
	s2 =	sor.u32 s1, s2  }
0x8: {  	s5 =	sadd.s32 $0x8400, s0;
	_ =	strace $0x80000047;
	s6 =	smul.u32 $0xC00, s2  }
.Ltmp0:
0x9: {  	s1 =	ssub.s32 $0x2, s1;
	s7 =	sshll.u32 s2, $0xA;
	(pc) =	sbr.rel .LBB2_1-.Ltmp0, $4  }
0xa: {  	s8 =	sshrl.u32 s1, $0x1;
	s11 =	sshll.u32 s2, $0x14;
	s31 =	sshll.u32 s2, $0x11  }
0xb: {  	s0 =	sadd.s32 s7, s0;
	s1 =	ssub.s32 s1, s8;
	s8 =	sshll.u32 s2, $0x3  }
0xc: {  	v0 =	vlaneseq.u32;
	s12 =	sadd.s32 s3, s31;
	s6 =	sadd.s32 s5, s6;
	s7 =	sadd.s32 $0x400, s0  }
0xd: {  	v1 =	vmul.u32 $0x80, v0;
	s13 =	smax.u32 s1, $0x1;
	s9 =	sadd.s32 $0x180, s6;
	s10 =	sadd.s32 $0x300, s6  }
.LBB2_11:
0xe: {  	_ =	swait.ge [sflag:s23], $0x4000  }
0xf: {  	[sflag:s23] =	ssyncset.done $0x0  }
0x10: {  	[sflag:s23] =	ssyncadd.s32 $0xFFFFC000  }
0x11: {  	_ =	swait.ge [sflag:s23], $0x4000  }
0x12: {  	[sflag:s23] =	ssyncset.done $0x0  }
0x13: {  	s26 =	sadd.s32 $0x1, s26;
	[sflag:s23] =	ssyncadd.s32 $0xFFFFC000  }
0x14: {  	p0 =	sne.s32 s26, s13;
	_ =	swait.ge [sflag:s24], $0x4000  }
.Ltmp1:
0x15: {  	[sflag:s24] =	ssyncset.done $0x0;
	(pc) =	sbr.rel @!p0 .LBB2_12-.Ltmp1, $4  }
0x16: {  	[sflag:s24] =	ssyncadd.s32 $0xFFFFC000  }
0x17: {  	_ =	swait.ge [sflag:s24], $0x4000  }
0x18: {  	[sflag:s24] =	ssyncset.done $0x0  }
0x19: {  	[sflag:s24] =	ssyncadd.s32 $0xFFFFC000  }
.LBB2_1:
0x1a: {  	s0 =	rddreg [dreg:$0x1]  }
0x1b: {  	[tilespmem:s4], [sflag:$0x4] =	stream.linear.gather [hbm4b:s0+s4], $0xC00, $0x38;
	[tilespmem:$0x1EC00] =	vst v63  }
0x1c: {  	_ =	swait.ge [sflag:s14], $0xC00  }
0x1d: {  	[sflag:s14] =	ssyncset.done $0x0  }
0x1e: {  	[sflag:s14] =	ssyncadd.s32 $0xFFFFF400  }
0x1f: {  	[tilespmem:s15], [sflag:$0x4] =	stream.linear.gather [hbm4b:s7+s4], $0x2000, $0x38;
	[tilespmem:$0x1EC00] =	vst v63  }
0x20: {  	_ =	swait.ge [sflag:s14], $0x2000  }
0x21: {  	[sflag:s14] =	ssyncset.done $0x0  }
0x22: {  	s29 =	simm.s32 $0x2C00;
	[sflag:s14] =	ssyncadd.s32 $0xFFFFE000  }
0x23: {  	[tilespmem:s29], [sflag:$0x1] =	stream.indirect.gather [hbm4b:s6+s16], $0x80, s15, s16, $0xb8;
	[tilespmem:$0x1EC00] =	vst v63  }
.Ltmp2:
0x24: {  	_ = 	snop;
	(pc) =	sbr.rel .LBB2_2-.Ltmp2, $4  }
0x25: {  	s30 =	simm.s32 $0xC80;
	s1 =	simm.s32 $0x6C00  }
0x26: {  	[tilespmem:s1], [sflag:$0x1] =	stream.indirect.gather [hbm4b:s9+s16], $0x80, s30, s16, $0xb8;
	[tilespmem:$0x1EC00] =	vst v63  }
0x27: {  	s31 =	simm.s32 $0xD00;
	s28 =	simm.s32 $0x0  }
0x28: {  	[tilespmem:s21], [sflag:$0x1] =	stream.indirect.gather [hbm4b:s10+s16], $0x80, s31, s16, $0xb8;
	[tilespmem:$0x1EC00] =	vst v63  }
.LBB2_10:
0x29: {  	s28 =	sadd.s32 $0x1, s28  }
0x2a: {  	p0 =	sne.s32 s28, $0x40  }
.Ltmp3:
0x2b: {  	_ = 	snop;
	(pc) =	sbr.rel @!p0 .LBB2_11-.Ltmp3, $1  }
0x2c: {  	_ =	sdelay $0x3  }
.LBB2_2:
0x2d: {  	s1 =	sand.u32 $0x3, s28  }
0x2e: {  	p0 =	sne.s32 s1, $0x1  }
.Ltmp4:
0x2f: {  	_ = 	snop;
	(pc) =	sbr.rel @p0 .LBB2_5-.Ltmp4, $2  }
0x30: {  	_ =	sdelay $0x2  }
0x31: {  	s0 =	sshrl.u32 s28, $0x2  }
0x32: {  	s1 =	smul.u32 $0xCD, s0;
	_ =	sdelay $0x1  }
0x33: {  	s1 =	sshrl.u32 s1, $0xA  }
0x34: {  	s1 =	sand.u32 $0x3F, s1  }
0x35: {  	s1 =	smul.u32 $0x5, s1;
	_ =	sdelay $0x1  }
0x36: {  	_ =	swait.ge [sflag:s22], $0x4000;
	s2 =	sshll.u32 s0, $0xB;
	s1 =	ssub.s32 s0, s1  }
0x37: {  	p0 =	slt.u32 s28, $0x8;
	[sflag:s22] =	ssyncset.done $0x0;
	s1 =	sand.u32 $0xFF, s1  }
0x38: {  	s2 =	sadd.s32 s2, s12;
	p1 =	sgt.u32 @!p0 s28, $0x33;
	s1 =	sshll.u32 s1, $0xE  }
0x39: {  	[sflag:s22] =	ssyncadd.s32 $0xFFFFC000;
	p1 =	por p0, !p1;
	s1 =	sor.u32 $0x2C00, s1  }
0x3a: {  	[hbm4b:s2+s4] =	stream.linear.scatter [tilespmem:s1], [sflag:$0x2], $0x4000, $0x38;
	[tilespmem:$0x1EC00] =	vst v63  }
.Ltmp5:
0x3b: {  	_ = 	snop;
	(pc) =	sbr.rel @!p1 .LBB2_10-.Ltmp5, $4  }
0x3c: {  	s1 =	simm.s32 @!p0 $0x2  }
0x3d: {  	_ =	swait.ge @!p0 [sflag:s1], $0x4000  }
0x3e: {  	[sflag:s1] =	ssyncset.done @!p0 $0x0  }
0x3f: {  	[sflag:s1] =	ssyncadd.s32 @!p0 $0xFFFFC000  }
0x40: {  	s0 =	sadd.s32 $0x3, s0  }
0x41: {  	s1 =	smul.u32 $0xCD, s0;
	_ =	sdelay $0x1  }
0x42: {  	s1 =	sshrl.u32 s1, $0xA  }
0x43: {  	s1 =	sand.u32 $0x3F, s1  }
0x44: {  	s1 =	smul.u32 $0x5, s1  }
0x45: {  	s2 =	sand.u32 $0x7, s0  }
.Ltmp6:
0x46: {  	s2 =	sor.u32 s8, s2;
	s1 =	ssub.s32 s0, s1;
	(pc) =	sbr.rel .LBB2_10-.Ltmp6, $4  }
0x47: {  	s2 =	smul.u32 $0x180, s2;
	s0 =	sshll.u32 s0, $0x7;
	s1 =	sand.u32 $0xFF, s1  }
0x48: {  	s0 =	sand.u32 $0x3FFFFF80, s0;
	s1 =	sshll.u32 s1, $0xE  }
0x49: {  	s2 =	sadd.s32 s5, s2;
	s0 =	sadd.s32 $0xC00, s0;
	s1 =	sor.u32 $0x2C00, s1  }
0x4a: {  	[tilespmem:s1], [sflag:$0x1] =	stream.indirect.gather [hbm4b:s2+s16], $0x80, s0, s16, $0xb8;
	[tilespmem:$0x1EC00] =	vst v63  }
.LBB2_5:
0x4b: {  	s0 =	smul.u32 $0x3, s0  }
0x4c: {  	p0 =	sne.s32 s1, $0x0;
	s2 =	simm.s32 $0x1  }
0x4d: {  	s2 =	simm.s32 @!p0 $0x0;
	s0 =	sadd.s32 s1, s0  }
0x4e: {  	s0 =	ssub.s32 s0, s2  }
0x4f: {  	s19 =	sand.u32 $0x80, s0  }
0x50: {  	s1 =	sshrl.u32 s19, $0x7  }
0x51: {  	p0 =	slt.s32 s0, $0x2;
	s1 =	sadd.s32 s1, s0  }
0x52: {  	s29 =	sadd.s32 $0x10, s0;
	s2 =	simm.s32 @!p0 $0x3;
	s1 =	sand.u32 $0xFE, s1  }
0x53: {  	s20 =	sshll.u32 s29, $0x9;
	_ =	swait.ge @!p0 [sflag:s2], $0x4000;
	s0 =	ssub.s32 s0, s1  }
0x54: {  	[sflag:s2] =	ssyncset.done @!p0 $0x0;
	s1 =	sshra.s32 s20, $0x2;
	s0 =	sshll.u32 s0, $0x18  }
0x55: {  	[sflag:s2] =	ssyncadd.s32 @!p0 $0xFFFFC000;
	s1 =	sadd.s32 $0xC00, s1;
	s30 =	sshra.s32 s0, $0x18  }
0x56: {  	s0 =	simm.s32 $0x0;
	v2 =	vmov s1;
	s1 =	simm.s32 $0x0;
	s31 =	sshll.u32 s30, $0x7  }
.LBB2_6:
0x57: {  	_ =	sdelay $0x2  }
0x58: {  	s2 =	sshll.u32 s1, $0x4;
	s17 =	simm.s32 $0x2;
	s19 =	simm.s32 $0x3  }
0x59: {  	s20 =	simm.s32 $0x4;
	v12 =	vmov s0;
	v3 =	vld.idx.msk [tilespmem:v2+s2+$0x0 ss:$0x1], $0xffff;
	s2 =	sadd.s32 s31, s2;
	v6 =	vadd.s32 s17, v0;
	v7 =	vadd.s32 s19, v0;
	s19 =	simm.s32 $0x5  }
0x5a: {  	v8 =	vadd.s32 s20, v0;
	s20 =	simm.s32 $0x6;
	v4 =	vmov s2;
	v10 =	vadd.s32 s19, v0  }
0x5b: {  	v11 =	vadd.s32 s20, v0;
	v13 =	vand.u32 $0xF, v6;
	v6 =	vand.u32 $0x70, v12  }
0x5c: {  	s17 =	simm.s32 $0x9;
	v8 =	vand.u32 $0xF, v8;
	v12 =	vadd.s32 s0, v0;
	v7 =	vand.u32 $0xF, v7  }
0x5d: {  	v16 =	vadd.s32 s17, v0;
	v5 =	vshll.u32 v4, $0x7;
	v10 =	vand.u32 $0xF, v10  }
0x5e: {  	s19 =	simm.s32 $0xB;
	s20 =	simm.s32 $0xC;
	s17 =	simm.s32 $0xF;
	v11 =	vand.u32 $0xF, v11;
	v14 =	vbroadcast v6, $0x0;
	v12 =	vand.u32 $0xF, v12  }
0x5f: {  	v6 =	vadd.s32 s19, v0;
	v20 =	vadd.s32 s20, v0;
	v22 =	vadd.s32 s17, v0;
	s19 =	simm.s32 $0xE;
	s20 =	simm.s32 $0x8  }
0x60: {  	v27 =	vadd.s32 s19, v0;
	v29 =	vadd.s32 s20, v0;
	v18 =	vor.u32 v14, v12  }
0x61: {  	s18 =	simm.s32 $0x1;
	v19 =	vor.u32 v14, v7;
	v7 =	vor.u32 v14, v8;
	v21 =	vor.u32 v14, v13  }
0x62: {  	v4 =	vshll.u32 v3, $0x7;
	v3 =	vor.u32 v1, v5;
	v5 =	vadd.s32 s18, v0;
	s18 =	simm.s32 $0x7  }
0x63: {  	v31 =	vor.u32 v14, v10;
	v9 =	vadd.s32 s18, v0;
	v24 =	vor.u32 v4, v21  }
0x64: {  	v11 =	vor.u32 v14, v11;
	v25 =	vor.u32 v4, v19;
	v9 =	vand.u32 $0xF, v9  }
0x65: {  	v5 =	vand.u32 $0xF, v5;
	v8 =	vor.u32 v14, v9;
	v9 =	vor.u32 v4, v18  }
0x66: {  	s18 =	simm.s32 $0xA;
	v30 =	vor.u32 v4, v7;
	v12 =	vor.u32 v4, v31;
	v10 =	vor.u32 v3, v7  }
0x67: {  	v17 =	vadd.s32 s18, v0;
	s18 =	simm.s32 $0xD;
	v15 =	vor.u32 v14, v5;
	v28 =	vor.u32 v4, v8  }
0x68: {  	v5 =	vand.u32 $0xF, v16;
	v26 =	vadd.s32 s18, v0;
	v13 =	vor.u32 v4, v15;
	v24 =	vld.idx.msk [tilespmem:v24+s4+$0x0], $0xffff  }
0x69: {  	v14 =	vor.u32 v4, v11;
	v16 =	vand.u32 $0xF, v17;
	v17 =	vand.u32 $0xF, v22;
	v22 =	vld.idx.msk [tilespmem:v25+s4+$0x0], $0xffff  }
0x6a: {  	v7 =	vand.u32 $0xF, v26;
	v26 =	vor.u32 v3, v18;
	v18 =	vand.u32 $0xF, v20;
	v23 =	vld.idx.msk [tilespmem:v9+s4+$0x0], $0xffff  }
0x6b: {  	v20 =	vor.u32 v3, v8;
	v9 =	vand.u32 $0xF, v27;
	v27 =	vor.u32 v3, v21;
	v21 =	vld.idx.msk [tilespmem:v30+s4+$0x0], $0xffff  }
0x6c: {  	s2 =	simm.s32 $0x10;
	v8 =	vor.u32 v3, v31;
	v25 =	vor.u32 v3, v19;
	v19 =	vld.idx.msk [tilespmem:v28+s4+$0x0], $0xffff;
	v28 =	vmov s20  }
.LBB2_7:
0x6d: {  	s19 =	sadd.s32 $0x1, s2  }
0x6e: {  	s20 =	sadd.s32 $0x2, s2;
	v29 =	vand.u32 $0xF, v29;
	v28 =	vand.u32 $0x70, v28;
	v30 =	vand.u32 $0xF, v6;
	v31 =	vld.idx.msk [tilespmem:v12+s4+$0x0], $0xffff;
	s17 =	smov.u32 s2;
	s18 =	sadd.s32 $0x8, s2  }
0x6f: {  	p0 =	slt.u32 s2, $0x78;
	v32 =	vadd.s32 s19, v0;
	v33 =	vadd.s32 s20, v0;
	v12 =	vbroadcast v28, $0x0;
	[tilespmem:v26+s25+$0x0] =	vst.idx.msk $0xffff, v23;
	v23 =	vld.idx.msk [tilespmem:v13+s4+$0x0], $0xffff  }
0x70: {  	s2 =	sadd.s32 $0x3, s17;
	v26 =	vor.u32 v3, v15;
	[tilespmem:v27+s25+$0x0] =	vst.idx.msk $0xffff, v24;
	v13 =	vld.idx.msk [tilespmem:v14+s4+$0x0], $0xffff;
	v14 =	vor.u32 v3, v11  }
0x71: {  	v6 =	vadd.s32 s2, v0;
	s2 =	sadd.s32 $0x4, s17;
	v24 =	vor.u32 v12, v29;
	v28 =	vor.u32 v12, v30;
	[tilespmem:v25+s25+$0x0] =	vst.idx.msk $0xffff, v22  }
0x72: {  	v25 =	vadd.s32 s2, v0;
	s2 =	sadd.s32 $0x7, s17;
	v18 =	vor.u32 v12, v18;
	v29 =	vor.u32 v12, v17;
	[tilespmem:v20+s25+$0x0] =	vst.idx.msk $0xffff, v19  }
0x73: {  	v17 =	vadd.s32 s2, v0;
	v19 =	vor.u32 v4, v24;
	v20 =	vor.u32 v12, v16;
	[tilespmem:v10+s25+$0x0] =	vst.idx.msk $0xffff, v21  }
0x74: {  	v30 =	vor.u32 v4, v18;
	v16 =	vor.u32 v4, v20;
	v21 =	vor.u32 v4, v28  }
0x75: {  	v34 =	vor.u32 v12, v7;
	v11 =	vor.u32 v12, v9;
	s2 =	sadd.s32 $0x5, s17;
	v35 =	vor.u32 v4, v29  }
0x76: {  	v15 =	vor.u32 v12, v5;
	v12 =	vor.u32 v4, v34;
	v7 =	vadd.s32 s2, v0;
	s2 =	sadd.s32 $0x6, s17;
	[tilespmem:v14+s25+$0x0] =	vst.idx.msk $0xffff, v13  }
0x77: {  	v9 =	vadd.s32 s2, v0;
	v13 =	vor.u32 v4, v15;
	v14 =	vor.u32 v4, v11;
	[tilespmem:v26+s25+$0x0] =	vst.idx.msk $0xffff, v23  }
.Ltmp7:
0x78: {  	v5 =	vand.u32 $0xF, v32;
	v10 =	vor.u32 v3, v18;
	v23 =	vld.idx.msk [tilespmem:v19+s4+$0x0], $0xffff;
	[tilespmem:v8+s25+$0x0] =	vst.idx.msk $0xffff, v31;
	(pc) =	sbr.rel @p0 .LBB2_7-.Ltmp7, $4  }
0x79: {  	v7 =	vand.u32 $0xF, v7;
	v9 =	vand.u32 $0xF, v9;
	v26 =	vor.u32 v3, v24;
	v24 =	vld.idx.msk [tilespmem:v16+s4+$0x0], $0xffff  }
0x7a: {  	v17 =	vand.u32 $0xF, v17;
	v27 =	vor.u32 v3, v20;
	v16 =	vand.u32 $0xF, v33;
	v22 =	vld.idx.msk [tilespmem:v21+s4+$0x0], $0xffff  }
0x7b: {  	v18 =	vand.u32 $0xF, v25;
	v25 =	vor.u32 v3, v28;
	v20 =	vor.u32 v3, v29;
	v19 =	vld.idx.msk [tilespmem:v35+s4+$0x0], $0xffff  }
0x7c: {  	v28 =	vmov s17;
	v29 =	vadd.s32 s17, v0;
	s2 =	smov.u32 s18;
	v8 =	vor.u32 v3, v34;
	v21 =	vld.idx.msk [tilespmem:v30+s4+$0x0], $0xffff  }
0x7d: {  	_ = 	snop  }
0x7e: {  	v28 =	vand.u32 $0x70, v28  }
0x7f: {  	v28 =	vbroadcast v28, $0x0  }
0x80: {  	v29 =	vand.u32 $0xF, v29  }
0x81: {  	[tilespmem:v26+s25+$0x0] =	vst.idx.msk $0xffff, v23;
	v15 =	vor.u32 v3, v15;
	v6 =	vand.u32 $0xF, v6;
	v46 =	vor.u32 v28, v29  }
0x82: {  	v11 =	vor.u32 v3, v11;
	v16 =	vor.u32 v28, v16;
	v47 =	vor.u32 v4, v46  }
0x83: {  	[tilespmem:v27+s25+$0x0] =	vst.idx.msk $0xffff, v24;
	v6 =	vor.u32 v28, v6;
	v48 =	vor.u32 v4, v16  }
0x84: {  	v14 =	vld.idx.msk [tilespmem:v14+s4+$0x0], $0xffff;
	[tilespmem:v25+s25+$0x0] =	vst.idx.msk $0xffff, v22;
	v17 =	vor.u32 v28, v17;
	v49 =	vor.u32 v4, v6  }
0x85: {  	v13 =	vld.idx.msk [tilespmem:v13+s4+$0x0], $0xffff;
	v18 =	vor.u32 v28, v18;
	[tilespmem:v20+s25+$0x0] =	vst.idx.msk $0xffff, v19;
	v50 =	vor.u32 v4, v17  }
0x86: {  	v12 =	vld.idx.msk [tilespmem:v12+s4+$0x0], $0xffff;
	v9 =	vor.u32 v28, v9;
	v5 =	vor.u32 v28, v5;
	v51 =	vor.u32 v4, v18  }
0x87: {  	v7 =	vor.u32 v28, v7;
	v52 =	vor.u32 v4, v9;
	v23 =	vor.u32 v3, v46;
	v53 =	vld.idx.msk [tilespmem:v47+s4+$0x0], $0xffff  }
0x88: {  	[tilespmem:v10+s25+$0x0] =	vst.idx.msk $0xffff, v21;
	v54 =	vor.u32 v4, v5;
	v16 =	vor.u32 v3, v16;
	v55 =	vld.idx.msk [tilespmem:v48+s4+$0x0], $0xffff  }
0x89: {  	v56 =	vor.u32 v4, v7;
	v6 =	vor.u32 v3, v6;
	[tilespmem:v11+s25+$0x0] =	vst.idx.msk $0xffff, v14;
	v57 =	vld.idx.msk [tilespmem:v49+s4+$0x0], $0xffff  }
0x8a: {  	v59 =	vor.u32 v3, v17;
	[tilespmem:v15+s25+$0x0] =	vst.idx.msk $0xffff, v13;
	v58 =	vld.idx.msk [tilespmem:v50+s4+$0x0], $0xffff  }
0x8b: {  	v60 =	vor.u32 v3, v18;
	[tilespmem:v8+s25+$0x0] =	vst.idx.msk $0xffff, v12;
	v61 =	vld.idx.msk [tilespmem:v51+s4+$0x0], $0xffff  }
0x8c: {  	v9 =	vor.u32 v3, v9;
	v62 =	vld.idx.msk [tilespmem:v52+s4+$0x0], $0xffff;
	[tilespmem:v23+s25+$0x0] =	vst.idx.msk $0xffff, v53  }
0x8d: {  	s1 =	sadd.s32 $0x1, s1;
	v5 =	vor.u32 v3, v5;
	v63 =	vld.idx.msk [tilespmem:v54+s4+$0x0], $0xffff;
	[tilespmem:v16+s25+$0x0] =	vst.idx.msk $0xffff, v55  }
0x8e: {  	p0 =	sne.s32 s1, $0x8;
	v3 =	vor.u32 v3, v7;
	v4 =	vld.idx.msk [tilespmem:v56+s4+$0x0], $0xffff;
	[tilespmem:v6+s25+$0x0] =	vst.idx.msk $0xffff, v57  }
.Ltmp8:
0x8f: {  	[tilespmem:v59+s25+$0x0] =	vst.idx.msk $0xffff, v58;
	(pc) =	sbr.rel @p0 .LBB2_6-.Ltmp8, $4  }
0x90: {  	[tilespmem:v60+s25+$0x0] =	vst.idx.msk $0xffff, v61  }
0x91: {  	[tilespmem:v9+s25+$0x0] =	vst.idx.msk $0xffff, v62  }
0x92: {  	[tilespmem:v5+s25+$0x0] =	vst.idx.msk $0xffff, v63  }
0x93: {  	[tilespmem:v3+s25+$0x0] =	vst.idx.msk $0xffff, v4  }
.Ltmp9:
0x94: {  	s0 =	sshll.u32 s29, $0xE;
	(pc) =	sbr.rel .LBB2_10-.Ltmp9, $4  }
0x95: {  	s1 =	sshll.u32 s30, $0x10;
	s0 =	sadd.s32 s11, s0  }
0x96: {  	s1 =	sshra.s32 s1, $0x2;
	s0 =	sshrl.u32 s0, $0x3  }
0x97: {  	s1 =	sadd.s32 $0x16C00, s1;
	s0 =	sadd.s32 s3, s0  }
0x98: {  	[hbm4b:s0+s4] =	stream.linear.scatter [tilespmem:s1], [sflag:$0x3], $0x4000, $0x38;
	[tilespmem:$0x1EC00] =	vst v63  }
.LBB2_12:
0x99: {  	_ =	sfence.sel $0x180000  }
0x9a: {  	[bflag:$0x0] =	sbarrier.arrive $0xFFFF  }
0x9b: {  	_ =	strace $0x90000047  }
0x9c: {  	s0 =	stileid.u32;
	[bflag:$0x2] =	sbarrier.arrive $0xFFFF  }
0x9d: {  	p0 =	sne.s32 s0, $0x0;
	s0 =	rddreg [dreg:$0x3]  }
0x9e: {  	s0 =	sadd.s32 @!p0 $0x100000, s0  }
0x9f: {  	[sflag:s0] =	ssyncadd.tile.s32 @!p0 $0x1;
	_ =	shalt  }
.Lfunc_end2:
_tile_overlayer_lowered:
.L_overlay_start_2:
0xa0: {  	(tag) =	ssettag $0x2  }
0xa1: {  	s0 =	rddreg [dreg:$0x0];
	s2 =	stileid.u32  }
0xa2: {  	s1 =	rddreg [dreg:$0x1];
	p0 =	sne.s32 s2, $0x0  }
0xa3: {  	s3 =	rddreg [dreg:$0x2];
	[bflag:$0x3] =	sbarrier.arrive $0xFFFF;
	s2 =	simm.s32 @!p0 $0x1C04  }
0xa4: {  	[timem:s3], [sflag:s2] =	dma.local @!p0 [hbm:s0], s1  }
0xa5: {  	s0 =	simm.s32 @!p0 $0x4  }
0xa6: {  	_ =	swait.ge @!p0 [sflag:s0], s1  }
0xa7: {  	s1 =	ssub.s32 @!p0 $0x0, s1;
	[sflag:s0] =	ssyncset.done @!p0 $0x0  }
0xa8: {  	[sflag:s0] =	ssyncadd.s32 @!p0 s1  }
0xa9: {  	[bflag:$0x3] =	sbarrier.arrive $0xFFFF  }
0xaa: {  	_ =	shalt  }

</sc_bundles>
